<compile_context>
chip_gen: v7x
topology: tpu7x:2x2x1
jax: 0.10.2.dev20260603
libtpu: 0.0.44.dev20260713+nightly
codegen_flags: <defaults>
</compile_context>

<pallas_src>
import functools

import jax
import jax.numpy as jnp
from jax import lax
from jax.experimental import pallas as pl
from jax.experimental.pallas import tpu as pltpu
from jax.experimental.pallas import tpu_sc as plsc

_NUM_OBJS = 151
_NUM_RELS = 51
_BATCH = 16384
_NROWS = _NUM_OBJS * _NUM_OBJS

_NC = 2
_NS = 16
_NW = _NC * _NS
_L = 16

_SPLIT = _BATCH // 4


def _freq_bias_body(idx_hbm, tableT_hbm, outT_hbm,
                    idx_v, row0_v, row1_v, col0_v, col1_v,
                    sem0, sem1, semw):
    wid = lax.axis_index("s") * _NC + lax.axis_index("c")
    second = wid + _NW < _NUM_RELS

    cp_idx = pltpu.async_copy(idx_hbm, idx_v, sem0)
    cp_r0 = pltpu.async_copy(tableT_hbm.at[wid], row0_v, sem0)

    @pl.when(second)
    def _():
        pltpu.async_copy(tableT_hbm.at[wid + _NW], row1_v, sem1)

    cp_idx.wait()
    cp_r0.wait()

    @plsc.parallel_loop(0, _SPLIT, step=_L, unroll=8)
    def _(i):
        col0_v[pl.ds(i, _L)] = plsc.load_gather(row0_v, [idx_v[pl.ds(i, _L)]])

    @pl.when(second)
    def _():
        pltpu.make_async_copy(tableT_hbm.at[wid + _NW], row1_v, sem1).wait()

        @plsc.parallel_loop(_SPLIT, _BATCH, step=_L, unroll=8)
        def _(i):
            idx = idx_v[pl.ds(i, _L)]
            col0_v[pl.ds(i, _L)] = plsc.load_gather(row0_v, [idx])
            col1_v[pl.ds(i, _L)] = plsc.load_gather(row1_v, [idx])

        @plsc.parallel_loop(0, _SPLIT, step=_L, unroll=8)
        def _(i):
            col1_v[pl.ds(i, _L)] = plsc.load_gather(row1_v,
                                                    [idx_v[pl.ds(i, _L)]])

    @pl.when(jnp.logical_not(second))
    def _():
        @plsc.parallel_loop(_SPLIT, _BATCH, step=_L, unroll=8)
        def _(i):
            col0_v[pl.ds(i, _L)] = plsc.load_gather(row0_v,
                                                    [idx_v[pl.ds(i, _L)]])

    wb0 = pltpu.async_copy(col0_v, outT_hbm.at[wid], semw)

    @pl.when(second)
    def _():
        pltpu.async_copy(col1_v, outT_hbm.at[wid + _NW], semw).wait()

    wb0.wait()


_freq_bias = functools.partial(
    pl.kernel,
    out_type=jax.ShapeDtypeStruct((_NUM_RELS, _BATCH), jnp.float32),
    mesh=plsc.VectorSubcoreMesh(core_axis_name="c", subcore_axis_name="s"),
    compiler_params=pltpu.CompilerParams(use_tc_tiling_on_sc=True,
                                         needs_layout_passes=False),
    scratch_types=[
        pltpu.VMEM((_BATCH,), jnp.int32),
        pltpu.VMEM((_NROWS,), jnp.float32),
        pltpu.VMEM((_NROWS,), jnp.float32),
        pltpu.VMEM((_BATCH,), jnp.float32),
        pltpu.VMEM((_BATCH,), jnp.float32),
        pltpu.SemaphoreType.DMA,
        pltpu.SemaphoreType.DMA,
        pltpu.SemaphoreType.DMA,
    ],
)(_freq_bias_body)


def kernel(labels, obj_baseline_weight):
    labels = labels.astype(jnp.int32)
    pair_idx = labels[:, 0] * _NUM_OBJS + labels[:, 1]
    outT = _freq_bias(pair_idx, obj_baseline_weight.T)
    return outT.T

# --- scband reference (transcript-rebuilt; emitter-appended) ---
"""Pipeline reference for scband-frequency-bias-20521353740416 (READ-ONLY COPY).

The authoritative reference and input builder live on the scoring server;
editing this copy changes nothing except your own understanding.
"""

import jax, jax.numpy as jnp
import numpy as np

NUM_OBJS = 151
NUM_RELS = 51
BATCH = 16384

def setup_inputs(seed: int = 0) -> dict:
    key = jax.random.key(seed)
    k1, k2 = jax.random.split(key)
    labels = jax.random.randint(k1, (BATCH, 2), 0, NUM_OBJS, dtype=jnp.int64 if jax.config.jax_enable_x64 else jnp.int32)
    # obj_baseline embedding weight, initialized from pred_dist statistics
    # pred_dist: [num_objs, num_objs, num_rels] -> viewed as [num_objs*num_objs, num_rels]
    obj_baseline_weight = jax.random.uniform(k2, (NUM_OBJS * NUM_OBJS, NUM_RELS), dtype=jnp.float32)
    return {"labels": labels, "obj_baseline_weight": obj_baseline_weight}

def reference(labels, obj_baseline_weight):
    # index_with_labels: pair_idx = labels[:,0]*num_objs + labels[:,1]
    pair_idx = labels[:, 0] * NUM_OBJS + labels[:, 1]
    pred_dist = jnp.take(obj_baseline_weight, pair_idx, axis=0)
    return pred_dist

if __name__ == "__main__":
    import jax
    _d = setup_inputs()
    print(jax.jit(kernel)(*tuple(_d.values())))

</pallas_src>

<mosaic_0001>
#map = affine_map<(d0, d1) -> (0)>
#map1 = affine_map<(d0, d1) -> (0, 0)>
module attributes {stable_mosaic.version = 14 : i64} {
  func.func @_freq_bias_body(%arg0: i32, %arg1: i32, %arg2: memref<16384xi32, #tpu.memory_space<hbm>>, %arg3: memref<51x22801xf32, #tpu.memory_space<hbm>>, %arg4: memref<51x16384xf32, #tpu.memory_space<hbm>>, %arg5: memref<16384xi32, #tpu.memory_space<vmem>>, %arg6: memref<22801xf32, #tpu.memory_space<vmem>>, %arg7: memref<22801xf32, #tpu.memory_space<vmem>>, %arg8: memref<16384xf32, #tpu.memory_space<vmem>>, %arg9: memref<16384xf32, #tpu.memory_space<vmem>>, %arg10: memref<!tpu.dma_semaphore, #tpu.memory_space<semaphore_mem>>, %arg11: memref<!tpu.dma_semaphore, #tpu.memory_space<semaphore_mem>>, %arg12: memref<!tpu.dma_semaphore, #tpu.memory_space<semaphore_mem>>) attributes {dimension_semantics = [#tpu.dimension_semantics<core_parallel>, #tpu.dimension_semantics<subcore_parallel>], iteration_bounds = array<i64: 2, 16>, scalar_prefetch = 0 : i64, scratch_operands = 8 : i64, tpu.core_type = #tpu.core_type<sc_vector_subcore>, window_params = [{transform_indices = #map}, {transform_indices = #map1}, {transform_indices = #map1}]} {
    %mul3A = arith.constant 2 : i32
    %mul3A_0 = arith.muli %arg1, %mul3A : i32
    %add3A = arith.addi %mul3A_0, %arg0 : i32
    %add3A_1 = arith.constant 32 : i32
    %add3A_2 = arith.addi %add3A, %add3A_1 : i32
    %lt3A = arith.constant 51 : i32
    %lt3A_3 = arith.cmpi slt, %add3A_2, %lt3A : i32
    tpu.enqueue_dma source(%arg2 : memref<16384xi32, #tpu.memory_space<hbm>>) target(%arg5 : memref<16384xi32, #tpu.memory_space<vmem>>) target_semaphore(%arg10 : memref<!tpu.dma_semaphore, #tpu.memory_space<semaphore_mem>>)
    %dma_start3A = arith.constant 0 : i32
    %dma_start3A_4 = tpu.memref_slice %arg3[%add3A, %dma_start3A] : memref<51x22801xf32, #tpu.memory_space<hbm>> -> memref<1x22801xf32, #tpu.memory_space<hbm>>
    %dma_start3A_5 = tpu.memref_squeeze %dma_start3A_4 : memref<1x22801xf32, #tpu.memory_space<hbm>> -> memref<22801xf32, #tpu.memory_space<hbm>>
    %dma_start3A_6 = arith.constant 0 : i32
    %dma_start3A_7 = tpu.memref_slice %arg3[%add3A, %dma_start3A_6] : memref<51x22801xf32, #tpu.memory_space<hbm>> -> memref<1x22801xf32, #tpu.memory_space<hbm>>
    %dma_start3A_8 = tpu.memref_squeeze %dma_start3A_7 : memref<1x22801xf32, #tpu.memory_space<hbm>> -> memref<22801xf32, #tpu.memory_space<hbm>>
    tpu.enqueue_dma source(%dma_start3A_8 : memref<22801xf32, #tpu.memory_space<hbm>>) target(%arg6 : memref<22801xf32, #tpu.memory_space<vmem>>) target_semaphore(%arg10 : memref<!tpu.dma_semaphore, #tpu.memory_space<semaphore_mem>>)
    %convert_element_type3A = arith.extui %lt3A_3 : i1 to i32
    %cond3A = arith.constant 0 : i32
    %cond3A_9 = arith.cmpi ne, %convert_element_type3A, %cond3A : i32
    scf.if %cond3A_9 {
      %add3A_39 = arith.constant 32 : i32
      %add3A_40 = arith.addi %add3A, %add3A_39 : i32
      %dma_start3A_41 = arith.constant 0 : i32
      %dma_start3A_42 = tpu.memref_slice %arg3[%add3A_40, %dma_start3A_41] : memref<51x22801xf32, #tpu.memory_space<hbm>> -> memref<1x22801xf32, #tpu.memory_space<hbm>>
      %dma_start3A_43 = tpu.memref_squeeze %dma_start3A_42 : memref<1x22801xf32, #tpu.memory_space<hbm>> -> memref<22801xf32, #tpu.memory_space<hbm>>
      %dma_start3A_44 = arith.constant 0 : i32
      %dma_start3A_45 = tpu.memref_slice %arg3[%add3A_40, %dma_start3A_44] : memref<51x22801xf32, #tpu.memory_space<hbm>> -> memref<1x22801xf32, #tpu.memory_space<hbm>>
      %dma_start3A_46 = tpu.memref_squeeze %dma_start3A_45 : memref<1x22801xf32, #tpu.memory_space<hbm>> -> memref<22801xf32, #tpu.memory_space<hbm>>
      tpu.enqueue_dma source(%dma_start3A_46 : memref<22801xf32, #tpu.memory_space<hbm>>) target(%arg7 : memref<22801xf32, #tpu.memory_space<vmem>>) target_semaphore(%arg11 : memref<!tpu.dma_semaphore, #tpu.memory_space<semaphore_mem>>)
    } else {
    }
    tpu.wait_dma2 semaphore(%arg10 : memref<!tpu.dma_semaphore, #tpu.memory_space<semaphore_mem>>) src(%arg2 : memref<16384xi32, #tpu.memory_space<hbm>>) dst(%arg5 : memref<16384xi32, #tpu.memory_space<vmem>>)
    %dma_wait3A = arith.constant 0 : i32
    %dma_wait3A_10 = tpu.memref_slice %arg3[%add3A, %dma_wait3A] : memref<51x22801xf32, #tpu.memory_space<hbm>> -> memref<1x22801xf32, #tpu.memory_space<hbm>>
    %dma_wait3A_11 = tpu.memref_squeeze %dma_wait3A_10 : memref<1x22801xf32, #tpu.memory_space<hbm>> -> memref<22801xf32, #tpu.memory_space<hbm>>
    %dma_wait3A_12 = arith.constant 0 : i32
    %dma_wait3A_13 = tpu.memref_slice %arg3[%add3A, %dma_wait3A_12] : memref<51x22801xf32, #tpu.memory_space<hbm>> -> memref<1x22801xf32, #tpu.memory_space<hbm>>
    %dma_wait3A_14 = tpu.memref_squeeze %dma_wait3A_13 : memref<1x22801xf32, #tpu.memory_space<hbm>> -> memref<22801xf32, #tpu.memory_space<hbm>>
    tpu.wait_dma2 semaphore(%arg10 : memref<!tpu.dma_semaphore, #tpu.memory_space<semaphore_mem>>) src(%dma_wait3A_14 : memref<22801xf32, #tpu.memory_space<hbm>>) dst(%arg6 : memref<22801xf32, #tpu.memory_space<vmem>>)
    %parallel_loop3A = arith.constant 0 : i32
    %parallel_loop3A_15 = arith.constant 4096 : i32
    %parallel_loop3A_16 = arith.constant 16 : i32
    scf.for %parallel_loop3A_39 = %parallel_loop3A to %parallel_loop3A_15 step %parallel_loop3A_16  : i32 {
      %parallel_loop3A_40 = arith.index_cast %parallel_loop3A_39 : i32 to index
      %parallel_loop3A_41 = tpu.vector_load %arg5[%parallel_loop3A_40] {strides = array<i32>} : memref<16384xi32, #tpu.memory_space<vmem>>, vector<16xi32>,
      %parallel_loop3A_42 = tpu.vector_load_idx %arg6[%parallel_loop3A_41] : memref<22801xf32, #tpu.memory_space<vmem>>[vector<16xi32>], vector<16xf32>,
      %parallel_loop3A_43 = arith.index_cast %parallel_loop3A_39 : i32 to index
      %parallel_loop3A_44 = tpu.vector_load %arg8[%parallel_loop3A_43] {strides = array<i32>} : memref<16384xf32, #tpu.memory_space<vmem>>, vector<16xf32>,
      tpu.vector_store %arg8[%parallel_loop3A_43], %parallel_loop3A_42 {strides = array<i32>} : memref<16384xf32, #tpu.memory_space<vmem>>, vector<16xf32>,
    } {sc.loop_unroll_factor = 8 : i64, sc.parallel_access}
    %convert_element_type3A_17 = arith.extui %lt3A_3 : i1 to i32
    %cond3A_18 = arith.constant 0 : i32
    %cond3A_19 = arith.cmpi ne, %convert_element_type3A_17, %cond3A_18 : i32
    scf.if %cond3A_19 {
      %add3A_39 = arith.constant 32 : i32
      %add3A_40 = arith.addi %add3A, %add3A_39 : i32
      %dma_wait3A_41 = arith.constant 0 : i32
      %dma_wait3A_42 = tpu.memref_slice %arg3[%add3A_40, %dma_wait3A_41] : memref<51x22801xf32, #tpu.memory_space<hbm>> -> memref<1x22801xf32, #tpu.memory_space<hbm>>
      %dma_wait3A_43 = tpu.memref_squeeze %dma_wait3A_42 : memref<1x22801xf32, #tpu.memory_space<hbm>> -> memref<22801xf32, #tpu.memory_space<hbm>>
      %dma_wait3A_44 = arith.constant 0 : i32
      %dma_wait3A_45 = tpu.memref_slice %arg3[%add3A_40, %dma_wait3A_44] : memref<51x22801xf32, #tpu.memory_space<hbm>> -> memref<1x22801xf32, #tpu.memory_space<hbm>>
      %dma_wait3A_46 = tpu.memref_squeeze %dma_wait3A_45 : memref<1x22801xf32, #tpu.memory_space<hbm>> -> memref<22801xf32, #tpu.memory_space<hbm>>
      tpu.wait_dma2 semaphore(%arg11 : memref<!tpu.dma_semaphore, #tpu.memory_space<semaphore_mem>>) src(%dma_wait3A_46 : memref<22801xf32, #tpu.memory_space<hbm>>) dst(%arg7 : memref<22801xf32, #tpu.memory_space<vmem>>)
      %parallel_loop3A_47 = arith.constant 4096 : i32
      %parallel_loop3A_48 = arith.constant 16384 : i32
      %parallel_loop3A_49 = arith.constant 16 : i32
      scf.for %parallel_loop3A_53 = %parallel_loop3A_47 to %parallel_loop3A_48 step %parallel_loop3A_49  : i32 {
        %parallel_loop3A_54 = arith.index_cast %parallel_loop3A_53 : i32 to index
        %parallel_loop3A_55 = tpu.vector_load %arg5[%parallel_loop3A_54] {strides = array<i32>} : memref<16384xi32, #tpu.memory_space<vmem>>, vector<16xi32>,
        %parallel_loop3A_56 = tpu.vector_load_idx %arg6[%parallel_loop3A_55] : memref<22801xf32, #tpu.memory_space<vmem>>[vector<16xi32>], vector<16xf32>,
        %parallel_loop3A_57 = arith.index_cast %parallel_loop3A_53 : i32 to index
        %parallel_loop3A_58 = tpu.vector_load %arg8[%parallel_loop3A_57] {strides = array<i32>} : memref<16384xf32, #tpu.memory_space<vmem>>, vector<16xf32>,
        tpu.vector_store %arg8[%parallel_loop3A_57], %parallel_loop3A_56 {strides = array<i32>} : memref<16384xf32, #tpu.memory_space<vmem>>, vector<16xf32>,
        %parallel_loop3A_59 = tpu.vector_load_idx %arg7[%parallel_loop3A_55] : memref<22801xf32, #tpu.memory_space<vmem>>[vector<16xi32>], vector<16xf32>,
        %parallel_loop3A_60 = arith.index_cast %parallel_loop3A_53 : i32 to index
        %parallel_loop3A_61 = tpu.vector_load %arg9[%parallel_loop3A_60] {strides = array<i32>} : memref<16384xf32, #tpu.memory_space<vmem>>, vector<16xf32>,
        tpu.vector_store %arg9[%parallel_loop3A_60], %parallel_loop3A_59 {strides = array<i32>} : memref<16384xf32, #tpu.memory_space<vmem>>, vector<16xf32>,
      } {sc.loop_unroll_factor = 8 : i64, sc.parallel_access}
      %parallel_loop3A_50 = arith.constant 0 : i32
      %parallel_loop3A_51 = arith.constant 4096 : i32
      %parallel_loop3A_52 = arith.constant 16 : i32
      scf.for %parallel_loop3A_53 = %parallel_loop3A_50 to %parallel_loop3A_51 step %parallel_loop3A_52  : i32 {
        %parallel_loop3A_54 = arith.index_cast %parallel_loop3A_53 : i32 to index
        %parallel_loop3A_55 = tpu.vector_load %arg5[%parallel_loop3A_54] {strides = array<i32>} : memref<16384xi32, #tpu.memory_space<vmem>>, vector<16xi32>,
        %parallel_loop3A_56 = tpu.vector_load_idx %arg7[%parallel_loop3A_55] : memref<22801xf32, #tpu.memory_space<vmem>>[vector<16xi32>], vector<16xf32>,
        %parallel_loop3A_57 = arith.index_cast %parallel_loop3A_53 : i32 to index
        %parallel_loop3A_58 = tpu.vector_load %arg9[%parallel_loop3A_57] {strides = array<i32>} : memref<16384xf32, #tpu.memory_space<vmem>>, vector<16xf32>,
        tpu.vector_store %arg9[%parallel_loop3A_57], %parallel_loop3A_56 {strides = array<i32>} : memref<16384xf32, #tpu.memory_space<vmem>>, vector<16xf32>,
      } {sc.loop_unroll_factor = 8 : i64, sc.parallel_access}
    } else {
    }
    %not3A = arith.constant true
    %not3A_20 = arith.xori %lt3A_3, %not3A : i1
    %convert_element_type3A_21 = arith.extui %not3A_20 : i1 to i32
    %cond3A_22 = arith.constant 0 : i32
    %cond3A_23 = arith.cmpi ne, %convert_element_type3A_21, %cond3A_22 : i32
    scf.if %cond3A_23 {
      %parallel_loop3A_39 = arith.constant 4096 : i32
      %parallel_loop3A_40 = arith.constant 16384 : i32
      %parallel_loop3A_41 = arith.constant 16 : i32
      scf.for %parallel_loop3A_42 = %parallel_loop3A_39 to %parallel_loop3A_40 step %parallel_loop3A_41  : i32 {
        %parallel_loop3A_43 = arith.index_cast %parallel_loop3A_42 : i32 to index
        %parallel_loop3A_44 = tpu.vector_load %arg5[%parallel_loop3A_43] {strides = array<i32>} : memref<16384xi32, #tpu.memory_space<vmem>>, vector<16xi32>,
        %parallel_loop3A_45 = tpu.vector_load_idx %arg6[%parallel_loop3A_44] : memref<22801xf32, #tpu.memory_space<vmem>>[vector<16xi32>], vector<16xf32>,
        %parallel_loop3A_46 = arith.index_cast %parallel_loop3A_42 : i32 to index
        %parallel_loop3A_47 = tpu.vector_load %arg8[%parallel_loop3A_46] {strides = array<i32>} : memref<16384xf32, #tpu.memory_space<vmem>>, vector<16xf32>,
        tpu.vector_store %arg8[%parallel_loop3A_46], %parallel_loop3A_45 {strides = array<i32>} : memref<16384xf32, #tpu.memory_space<vmem>>, vector<16xf32>,
      } {sc.loop_unroll_factor = 8 : i64, sc.parallel_access}
    } else {
    }
    %dma_start3A_24 = arith.constant 0 : i32
    %dma_start3A_25 = tpu.memref_slice %arg4[%add3A, %dma_start3A_24] : memref<51x16384xf32, #tpu.memory_space<hbm>> -> memref<1x16384xf32, #tpu.memory_space<hbm>>
    %dma_start3A_26 = tpu.memref_squeeze %dma_start3A_25 : memref<1x16384xf32, #tpu.memory_space<hbm>> -> memref<16384xf32, #tpu.memory_space<hbm>>
    %dma_start3A_27 = arith.constant 0 : i32
    %dma_start3A_28 = tpu.memref_slice %arg4[%add3A, %dma_start3A_27] : memref<51x16384xf32, #tpu.memory_space<hbm>> -> memref<1x16384xf32, #tpu.memory_space<hbm>>
    %dma_start3A_29 = tpu.memref_squeeze %dma_start3A_28 : memref<1x16384xf32, #tpu.memory_space<hbm>> -> memref<16384xf32, #tpu.memory_space<hbm>>
    tpu.enqueue_dma source(%arg8 : memref<16384xf32, #tpu.memory_space<vmem>>) target(%dma_start3A_29 : memref<16384xf32, #tpu.memory_space<hbm>>) target_semaphore(%arg12 : memref<!tpu.dma_semaphore, #tpu.memory_space<semaphore_mem>>)
    %convert_element_type3A_30 = arith.extui %lt3A_3 : i1 to i32
    %cond3A_31 = arith.constant 0 : i32
    %cond3A_32 = arith.cmpi ne, %convert_element_type3A_30, %cond3A_31 : i32
    scf.if %cond3A_32 {
      %add3A_39 = arith.constant 32 : i32
      %add3A_40 = arith.addi %add3A, %add3A_39 : i32
      %dma_start3A_41 = arith.constant 0 : i32
      %dma_start3A_42 = tpu.memref_slice %arg4[%add3A_40, %dma_start3A_41] : memref<51x16384xf32, #tpu.memory_space<hbm>> -> memref<1x16384xf32, #tpu.memory_space<hbm>>
      %dma_start3A_43 = tpu.memref_squeeze %dma_start3A_42 : memref<1x16384xf32, #tpu.memory_space<hbm>> -> memref<16384xf32, #tpu.memory_space<hbm>>
      %dma_start3A_44 = arith.constant 0 : i32
      %dma_start3A_45 = tpu.memref_slice %arg4[%add3A_40, %dma_start3A_44] : memref<51x16384xf32, #tpu.memory_space<hbm>> -> memref<1x16384xf32, #tpu.memory_space<hbm>>
      %dma_start3A_46 = tpu.memref_squeeze %dma_start3A_45 : memref<1x16384xf32, #tpu.memory_space<hbm>> -> memref<16384xf32, #tpu.memory_space<hbm>>
      tpu.enqueue_dma source(%arg9 : memref<16384xf32, #tpu.memory_space<vmem>>) target(%dma_start3A_46 : memref<16384xf32, #tpu.memory_space<hbm>>) target_semaphore(%arg12 : memref<!tpu.dma_semaphore, #tpu.memory_space<semaphore_mem>>)
      %dma_wait3A_47 = arith.constant 0 : i32
      %dma_wait3A_48 = tpu.memref_slice %arg4[%add3A_40, %dma_wait3A_47] : memref<51x16384xf32, #tpu.memory_space<hbm>> -> memref<1x16384xf32, #tpu.memory_space<hbm>>
      %dma_wait3A_49 = tpu.memref_squeeze %dma_wait3A_48 : memref<1x16384xf32, #tpu.memory_space<hbm>> -> memref<16384xf32, #tpu.memory_space<hbm>>
      %dma_wait3A_50 = arith.constant 0 : i32
      %dma_wait3A_51 = tpu.memref_slice %arg4[%add3A_40, %dma_wait3A_50] : memref<51x16384xf32, #tpu.memory_space<hbm>> -> memref<1x16384xf32, #tpu.memory_space<hbm>>
      %dma_wait3A_52 = tpu.memref_squeeze %dma_wait3A_51 : memref<1x16384xf32, #tpu.memory_space<hbm>> -> memref<16384xf32, #tpu.memory_space<hbm>>
      tpu.wait_dma2 semaphore(%arg12 : memref<!tpu.dma_semaphore, #tpu.memory_space<semaphore_mem>>) src(%arg9 : memref<16384xf32, #tpu.memory_space<vmem>>) dst(%dma_wait3A_52 : memref<16384xf32, #tpu.memory_space<hbm>>)
    } else {
    }
    %dma_wait3A_33 = arith.constant 0 : i32
    %dma_wait3A_34 = tpu.memref_slice %arg4[%add3A, %dma_wait3A_33] : memref<51x16384xf32, #tpu.memory_space<hbm>> -> memref<1x16384xf32, #tpu.memory_space<hbm>>
    %dma_wait3A_35 = tpu.memref_squeeze %dma_wait3A_34 : memref<1x16384xf32, #tpu.memory_space<hbm>> -> memref<16384xf32, #tpu.memory_space<hbm>>
    %dma_wait3A_36 = arith.constant 0 : i32
    %dma_wait3A_37 = tpu.memref_slice %arg4[%add3A, %dma_wait3A_36] : memref<51x16384xf32, #tpu.memory_space<hbm>> -> memref<1x16384xf32, #tpu.memory_space<hbm>>
    %dma_wait3A_38 = tpu.memref_squeeze %dma_wait3A_37 : memref<1x16384xf32, #tpu.memory_space<hbm>> -> memref<16384xf32, #tpu.memory_space<hbm>>
    tpu.wait_dma2 semaphore(%arg12 : memref<!tpu.dma_semaphore, #tpu.memory_space<semaphore_mem>>) src(%arg8 : memref<16384xf32, #tpu.memory_space<vmem>>) dst(%dma_wait3A_38 : memref<16384xf32, #tpu.memory_space<hbm>>)
    return
  }
}

</mosaic_0001>

<sc_bundles>
// kernel: kernel.3.cloned.1.call-start
scs
__scs_entry_jumppad:
0x0: {  	(pc) =	sbr.rel $0x88, $3  }
0x1: {  	(tag) =	ssettag $0x0;
	lr =	simm.s32 $0x1  }
0x2: {  	[smem:$0x3F9F] =	sst lr;
	_ =	strace $0xD0000000  }
0x3: {  	_ = 	snop  }
0x4: {  	_ = 	snop  }
0x5: {  	_ = 	snop  }
0x6: {  	_ = 	snop  }
0x7: {  	_ = 	snop  }
__scs_overlays_trampoline_lowered:
0x8: {  	[smem:$0x3FAE] =	sst s0  }
0x9: {  	[smem:$0x3FAF] =	sst s1  }
0xa: {  	[smem:$0x3FB0] =	sst s2  }
0xb: {  	[smem:$0x3FB1] =	sst s3  }
0xc: {  	[smem:$0x3FB2] =	sst s4  }
0xd: {  	[smem:$0x3FB3] =	sst s5  }
0xe: {  	[smem:$0x3FB4] =	sst s6  }
0xf: {  	[smem:$0x3FB5] =	sst s7  }
0x10: {  	[smem:$0x3FB6] =	sst s8  }
0x11: {  	[smem:$0x3FB7] =	sst s9;
	s0 =	simm.s32 @!p0 $0x0  }
0x12: {  	s1 =	sld [smem:$0x3F9D];
	s0 =	simm.s32 @p0 $0x1  }
0x13: {  	[smem:$0x3FB8] =	sst s0;
	s0 =	simm.s32 @!p1 $0x0  }
0x14: {  	s2 =	sld [smem:$0x3F9C];
	s0 =	simm.s32 @p1 $0x1  }
0x15: {  	[smem:$0x3FB9] =	sst s0;
	s0 =	simm.s32 @!p2 $0x0  }
0x16: {  	s3 =	sld [smem:$0x3FDB];
	s0 =	simm.s32 @p2 $0x1  }
0x17: {  	s4 =	simm.s32 $0x1BF5;
	[smem:$0x3FBB] =	sst s0  }
0x18: {  	s0 =	sld [smem:$0x3F9E];
	_ =	swait.ge [sflag:s4], $0x0  }
0x19: {  	s7 =	sld [smem:$0x3F9F]  }
0x1a: {  	s8 =	sadd.s32 $0xFFFFE003, lr  }
0x1b: {  	s9 =	sadd.s32 $0xFFFFFEF7, lr;
	s5 =	simm.s32 $0xFFFFFFFF;
	p2 =	slt.u32 s8, $0xFFFFF086  }
0x1c: {  	p1 =	slt.u32 s9, $0xF7A;
	s5 =	simm.s32 @!p2 $0x0  }
0x1d: {  	s5 =	simm.s32 @p1 $0x1;
	p0 =	seq.s32 s7, s2  }
0x1e: {  	s7 =	smul.u32 @!p0 $0xF7A, s2;
	p2 =	seq.s32 @!p0 s5, $0x0  }
0x1f: {  	s9 =	smul.u32 $0xF7A, s1;
	s8 =	simm.s32 @!p0 $0x1BF5;
	p2 =	por !p2, p0  }
0x20: {  	[sflag:s8] =	ssyncset.s32 @!p0 $0xFFFFF086;
	s6 =	sadd.s32 @!p0 s3, s7;
	s7 =	simm.s32 @!p0 $0x108  }
0x21: {  	s3 =	sadd.s32 s3, s9;
	s6 =	sadd.s32 @!p0 $0x88, s6;
	s7 =	simm.s32 @p2 $0x1082  }
0x22: {  	[simem:s7], [sflag:s8] =	dma.local @!p0 [hbm:s6], $0xF7A  }
0x23: {  	s9 =	sor.u32 $0xD0000000, s2;
	s6 =	simm.s32 $0x108;
	_ =	swait.ge @!p0 [sflag:s8], $0x0  }
0x24: {  	s3 =	sadd.s32 $0x88, s3;
	s6 =	simm.s32 @!p1 $0x1082;
	[sflag:s4] =	ssyncset.s32 $0xFFFFF086  }
0x25: {  	[simem:s6], [sflag:s4] =	dma.local [hbm:s3], $0xF7A  }
0x26: {  	[smem:$0x3F9F] =	sst s1;
	(tag) =	ssettag s2;
	_ =	strace s9  }
0x27: {  	s1 =	sld [smem:$0x3FAF]  }
0x28: {  	s2 =	sld [smem:$0x3FB0]  }
0x29: {  	s4 =	sld [smem:$0x3FB2]  }
0x2a: {  	p0 =	seq.s32 s5, $0x0;
	s5 =	sld [smem:$0x3FB3]  }
0x2b: {  	s6 =	sld [smem:$0x3FB4]  }
0x2c: {  	s7 =	sld [smem:$0x3FB5]  }
0x2d: {  	s3 =	simm.s32 $0x108;
	s8 =	sld [smem:$0x3FB6]  }
0x2e: {  	s3 =	simm.s32 @!p0 $0x1082;
	s9 =	sld [smem:$0x3FB7]  }
0x2f: {  	lr =	sadd.s32 s0, s3;
	s0 =	sld [smem:$0x3FAE]  }
0x30: {  	s3 =	sld [smem:$0x3FB1]  }
0x31: {  	[smem:$0x3FBA] =	sst s10  }
0x32: {  	s10 =	sld [smem:$0x3FB8];
	_ =	sdelay $0x3  }
0x33: {  	p0 =	seq.s32 s10, $0x1;
	s10 =	sld [smem:$0x3FBA];
	_ =	sdelay $0x3  }
0x34: {  	[smem:$0x3FBA] =	sst s10  }
0x35: {  	s10 =	sld [smem:$0x3FB9];
	_ =	sdelay $0x3  }
0x36: {  	p1 =	seq.s32 s10, $0x1;
	s10 =	sld [smem:$0x3FBA];
	_ =	sdelay $0x3  }
0x37: {  	[smem:$0x3FBA] =	sst s10  }
0x38: {  	s10 =	sld [smem:$0x3FBB]  }
0x39: {  	_ = 	snop;
	(pc) =	sbr.ind lr, $3  }
0x3a: {  	_ = 	snop  }
0x3b: {  	_ = 	snop  }
0x3c: {  	p2 =	seq.s32 s10, $0x1;
	s10 =	sld [smem:$0x3FBA]  }
0x3d: {  	_ =	shalt  }
0x3e: {  	_ =	shalt  }
0x3f: {  	_ =	shalt  }
0x40: {  	_ =	shalt  }
0x41: {  	_ =	shalt  }
0x42: {  	_ =	shalt  }
0x43: {  	_ =	shalt  }
0x44: {  	_ =	shalt  }
0x45: {  	_ =	shalt  }
0x46: {  	_ =	shalt  }
0x47: {  	_ =	shalt  }
0x48: {  	_ =	shalt  }
0x49: {  	_ =	shalt  }
0x4a: {  	_ =	shalt  }
0x4b: {  	_ =	shalt  }
0x4c: {  	_ =	shalt  }
0x4d: {  	_ =	shalt  }
0x4e: {  	_ =	shalt  }
0x4f: {  	_ =	shalt  }
0x50: {  	_ =	shalt  }
0x51: {  	_ =	shalt  }
0x52: {  	_ =	shalt  }
0x53: {  	_ =	shalt  }
0x54: {  	_ =	shalt  }
0x55: {  	_ =	shalt  }
0x56: {  	_ =	shalt  }
0x57: {  	_ =	shalt  }
0x58: {  	_ =	shalt  }
0x59: {  	_ =	shalt  }
0x5a: {  	_ =	shalt  }
0x5b: {  	_ =	shalt  }
0x5c: {  	_ =	shalt  }
0x5d: {  	_ =	shalt  }
0x5e: {  	_ =	shalt  }
0x5f: {  	_ =	shalt  }
0x60: {  	_ =	shalt  }
0x61: {  	_ =	shalt  }
0x62: {  	_ =	shalt  }
0x63: {  	_ =	shalt  }
0x64: {  	_ =	shalt  }
0x65: {  	_ =	shalt  }
0x66: {  	_ =	shalt  }
0x67: {  	_ =	shalt  }
0x68: {  	_ =	shalt  }
0x69: {  	_ =	shalt  }
0x6a: {  	_ =	shalt  }
0x6b: {  	_ =	shalt  }
0x6c: {  	_ =	shalt  }
0x6d: {  	_ =	shalt  }
0x6e: {  	_ =	shalt  }
0x6f: {  	_ =	shalt  }
0x70: {  	_ =	shalt  }
0x71: {  	_ =	shalt  }
0x72: {  	_ =	shalt  }
0x73: {  	_ =	shalt  }
0x74: {  	_ =	shalt  }
0x75: {  	_ =	shalt  }
0x76: {  	_ =	shalt  }
0x77: {  	_ =	shalt  }
0x78: {  	_ =	shalt  }
0x79: {  	_ =	shalt  }
0x7a: {  	_ =	shalt  }
0x7b: {  	_ =	shalt  }
0x7c: {  	_ =	shalt  }
0x7d: {  	_ =	shalt  }
0x7e: {  	_ =	shalt  }
0x7f: {  	_ =	shalt  }
0x80: {  	_ =	shalt  }
0x81: {  	_ =	shalt  }
0x82: {  	_ =	shalt  }
0x83: {  	_ =	shalt  }
0x84: {  	_ =	shalt  }
0x85: {  	_ =	shalt  }
0x86: {  	_ =	shalt  }
0x87: {  	_ =	shalt  }
.Lfunc_end0:
.L_simem_size_0:
called_computation_lowered:
.L_overlay_start_0:
0x88: {  	s2 =	sld [smem:$0x3FD9]  }
0x89: {  	s3 =	sld [smem:$0x3FFE];
	_ =	sdelay $0x1  }
0x8a: {  	s1 =	srdreg.scid  }
0x8b: {  	s0 =	sand.u32 $0x1, s1  }
0x8c: {  	s17 =	sshll.u32 s0, $0xA;
	s2 =	sadd.s32 s3, s2  }
0x8d: {  	s2 =	sadd.s32 s2, s17  }
0x8e: {  	[smem:$0x3FC6] =	sst s2  }
0x8f: {  	_ = 	snop  }
0x90: {  	s2 =	sld [smem:$0x3FC8]  }
0x91: {  	s18 =	sld [smem:$0x3FD0];
	(tm) =	ssettm $0x1  }
0x92: {  	s4 =	sld [smem:$0x3FFB];
	_ =	sdelay $0x3  }
0x93: {  	_ =	strace s4  }
0x94: {  	s4 =	sld [smem:$0x3FFC];
	_ =	sdelay $0x3  }
0x95: {  	_ =	strace s4  }
0x96: {  	s4 =	sld [smem:$0x3FFD];
	_ =	sdelay $0x3  }
0x97: {  	_ =	strace s4  }
0x98: {  	_ =	strace $0x8FFFFFFF  }
0x99: {  	s19 =	sld [smem:$0x3FDB];
	_ =	sdelay $0x1  }
0x9a: {  	s5 =	simm.s32 $_scs_section_size  }
0x9b: {  	s6 =	simm.s32 $_size__tile_overlayer_lowered;
	s7 =	simm.s32 $_tile_overlayer_lowered  }
0x9c: {  	s22 =	simm.s32 $0x1BFF;
	s21 =	sshll.u32 s7, $0x1;
	s4 =	sadd.s32 s5, s19  }
0x9d: {  	s8 =	simm.s32 $0x0;
	s20 =	sshll.u32 s6, $0x1;
	s6 =	sadd.s32 s21, s4  }
0x9e: {  	[timem:s8], [sflag:s22] =	dma.local [hbm:s6], s20  }
0x9f: {  	_ =	swait.ge [sflag:s22], s20  }
0xa0: {  	s5 =	ssub.s32 $0x0, s20;
	[sflag:s22] =	ssyncset.done $0x0  }
0xa1: {  	[sflag:s22] =	ssyncadd.s32 s5;
	_ =	sdelay $0x1  }
0xa2: {  	s23 =	simm.s32 $0x1B8B  }
0xa3: {  	_ =	swait.ge [sflag:s23], $0x1  }
0xa4: {  	[sflag:s23] =	ssyncset.done $0x0  }
0xa5: {  	s25 =	simm.s32 $0x1B8E;
	s24 =	sld [smem:$0x3FFE];
	[sflag:s23] =	ssyncadd.s32 $0xFFFFFFFF  }
0xa6: {  	s26 =	simm.s32 $execute0_lowered;
	[smem:$0x3FD2] =	sst s25  }
0xa7: {  	s6 =	sshll.u32 s26, $0x1;
	_ =	strace $0x80000046;
	[dreg:$0x1] =	wrdreg $0xFFFFFFFF  }
0xa8: {  	s28 =	simm.s32 $_size_execute0_lowered;
	s4 =	sadd.s32 s4, s6;
	[dreg:$0x0] =	wrdreg $0x0  }
0xa9: {  	s6 =	sshll.u32 s28, $0x1;
	[dreg:$0x2] =	wrdreg s4  }
0xaa: {  	[dreg:$0x3] =	wrdreg s6  }
0xab: {  	[dreg:$0x4] =	wrdreg $0xC0  }
0xac: {  	_ =	task [dreg:s8], $0x5FFFF  }
0xad: {  	[dreg:$0x1] =	wrdreg $0xFFFFFFFF  }
0xae: {  	[dreg:$0x0] =	wrdreg $0x60  }
0xaf: {  	[dreg:$0x2] =	wrdreg s24  }
0xb0: {  	[dreg:$0x3] =	wrdreg s2  }
0xb1: {  	[dreg:$0x4] =	wrdreg s18  }
0xb2: {  	[dreg:$0x5] =	wrdreg $0x9  }
0xb3: {  	_ =	task.clear_ibuf [dreg:s8], $0x6FFFF;
	_ =	strace $0x90000046  }
0xb4: {  	s29 =	simm.s32 $0x9;
	_ =	strace $0x80000048  }
0xb5: {  	_ =	swait.ge [sflag:s29], $0x1  }
0xb6: {  	[sflag:s29] =	ssyncadd.s32 $0xFFFFFFFF  }
0xb7: {  	_ =	strace $0x90000048  }
0xb8: {  	_ =	sfence  }
0xb9: {  	s30 =	sld [smem:$0x0];
	_ =	sdelay $0x2  }
0xba: {  	s31 =	sshll.u32 s1, $0xD;
	s1 =	sshrl.u32 s1, $0x2  }
0xbb: {  	s3 =	sand.u32 $0x4000, s31;
	s1 =	sadd.s32 s1, s30  }
0xbc: {  	s0 =	sor.u32 s3, s0;
	s1 =	sshll.u32 s1, $0x11  }
0xbd: {  	s0 =	sor.u32 s1, s0  }
0xbe: {  	s0 =	sadd.s32 $0x8F2B, s0  }
0xbf: {  	[sflag:s0] =	ssyncadd.remote.s32 $0x1  }
0xc0: {  	_ =	sfence.sel $0xFFFF  }
0xc1: {  	[dreg:$0x0] =	wrdreg $0xFFFFFFFF;
	(pc) =	sbr.abs _section_cstart, $3  }
0xc2: {  	[dreg:$0x1] =	wrdreg $0xFFFFFFFF  }
0xc3: {  	_ =	task.clear_ibuf [dreg:s8], $0x2FFFF;
	_ =	strace $0x9FFFFFFF  }
0xc4: {  	(tm) =	ssettm $0x7FFFFFFF  }
0xc5: {  	_ =	shalt  }
tec
execute0_lowered:
.L_overlay_start_1:
0x0: {  	(tag) =	ssettag $0x1  }
0x1: {  	s3 =	rddreg [dreg:$0x0]  }
0x2: {  	s5 =	rddreg [dreg:$0x1]  }
0x3: {  	s7 =	rddreg [dreg:$0x2]  }
0x4: {  	s0 =	rddreg [dreg:$0x3];
	s2 =	simm.s32 $0x0;
	s4 =	srdreg.scid  }
0x5: {  	s1 =	stileid.u32;
	s15 =	simm.s32 $0xF300;
	s16 =	simm.s32 $0x3  }
0x6: {  	s17 =	simm.s32 $0x0;
	s23 =	simm.s32 $0x40;
	[smem:$0x7FF] =	sst s2  }
0x7: {  	s4 =	sand.u32 $0x1, s4;
	s6 =	sshll.u32 s1, $0x1;
	s29 =	sshrl.u32 s1, $0x2  }
0x8: {  	s3 =	sadd.s32 $0x400, s3;
	_ =	strace $0x80000047;
	s9 =	sor.u32 s4, s6  }
0x9: {  	s10 =	smul.u32 $0x2CC00, s29;
	s4 =	ssub.s32 $0x2, s4;
	s6 =	sshll.u32 s29, $0x11  }
0xa: {  	s8 =	sshll.u32 s9, $0x7;
	s11 =	sor.u32 $0x20, s9;
	s13 =	sshrl.u32 s4, $0x1  }
0xb: {  	p0 =	sgt.u32 s9, $0x12;
	s9 =	simm.s32 $0x80;
	s12 =	sand.u32 $0x380, s8  }
0xc: {  	s14 =	sshrl.u32 s11, $0x3;
	s13 =	ssub.s32 s4, s13;
	s11 =	sshll.u32 s11, $0xE  }
0xd: {  	s10 =	sor.u32 s10, s12;
	s31 =	smul.u32 $0x2CC00, s14;
	s6 =	sor.u32 s6, s12  }
0xe: {  	s8 =	sor.u32 s8, s11;
	s11 =	simm.s32 $0x4000;
	s14 =	simm.s32 $0x9980  }
.Ltmp0:
0xf: {  	s30 =	sshrl.u32 s10, $0x3;
	s6 =	sshrl.u32 s6, $0x3;
	(pc) =	sbr.rel .LBB2_1-.Ltmp0, $4  }
0x10: {  	s8 =	sand.u32 $0xE0380, s8;
	s4 =	sadd.s32 s5, s30;
	s10 =	sor.u32 s12, s31  }
0x11: {  	s6 =	sadd.s32 s7, s6;
	s8 =	sshrl.u32 s8, $0x3;
	s12 =	simm.s32 $0x1  }
0x12: {  	s10 =	sshrl.u32 s10, $0x3;
	s7 =	sadd.s32 s7, s8;
	s8 =	smax.u32 s13, $0x1  }
0x13: {  	s13 =	simm.s32 $0x2;
	s5 =	sadd.s32 s5, s10;
	s10 =	simm.s32 $0x400  }
.LBB2_6:
0x14: {  	[tilespmem:s18+$0xFFFFFFB0] =	vst v5  }
0x15: {  	[tilespmem:s18+$0xFFFFFFC0] =	vst v3  }
0x16: {  	[tilespmem:s18+$0xFFFFFFD0] =	vst v2  }
0x17: {  	[tilespmem:s18+$0xFFFFFFE0] =	vst v0  }
0x18: {  	[tilespmem:s18+$0xFFFFFFF0] =	vst v1  }
0x19: {  	[tilespmem:s18+$0xFFFFFF90] =	vst v4  }
.LBB2_12:
0x1a: {  	[hbm4b:s6+s9] =	stream.strided.scatter [tilespmem:s15], [sflag:$0x3], $0x4000, s10, s9, $0x38;
	[tilespmem:$0x17300] =	vst v63  }
0x1b: {  	s18 =	simm.s32 @!p0 $0x80;
	s19 =	simm.s32 @!p0 $0x400;
	s20 =	simm.s32 @!p0 $0x13300  }
0x1c: {  	[hbm4b:s7+s18] =	stream.strided.scatter @!p0 [tilespmem:s20], [sflag:$0x3], $0x4000, s19, s18, $0x38;
	[tilespmem:$0x17300] =	vst v63  }
0x1d: {  	s17 =	sadd.s32 $0x1, s17;
	s18 =	simm.s32 @!p0 $0x3  }
0x1e: {  	p1 =	sne.s32 s17, s8;
	_ =	swait.ge @!p0 [sflag:s18], $0x4000  }
.Ltmp1:
0x1f: {  	[sflag:s18] =	ssyncset.done @!p0 $0x0;
	(pc) =	sbr.rel @!p1 .LBB2_13-.Ltmp1, $4  }
0x20: {  	[sflag:s18] =	ssyncadd.s32 @!p0 $0xFFFFC000  }
0x21: {  	_ =	swait.ge [sflag:s16], $0x4000  }
0x22: {  	[sflag:s16] =	ssyncset.done $0x0  }
0x23: {  	[sflag:s16] =	ssyncadd.s32 $0xFFFFC000  }
.LBB2_1:
0x24: {  	[tilespmem:s2], [sflag:$0x1] =	stream.linear.gather [hbm4b:s3+s2], $0x4000, $0x38;
	[tilespmem:$0x17300] =	vst v63  }
0x25: {  	_ = 	snop  }
0x26: {  	[tilespmem:s11], [sflag:$0x1] =	stream.strided.gather [hbm4b:s4+s9], $0x5980, s10, s9, $0x38;
	[tilespmem:$0x17300] =	vst v63  }
0x27: {  	s18 =	simm.s32 @!p0 $0x80;
	s19 =	simm.s32 @!p0 $0x400;
	s20 =	simm.s32 @!p0 $0x9980  }
0x28: {  	[tilespmem:s20], [sflag:$0x2] =	stream.strided.gather @!p0 [hbm4b:s5+s18], $0x5980, s19, s18, $0x38;
	[tilespmem:$0x17300] =	vst v63  }
0x29: {  	_ =	swait.ge [sflag:s12], $0x4000  }
0x2a: {  	[sflag:s12] =	ssyncset.done $0x0  }
0x2b: {  	[sflag:s12] =	ssyncadd.s32 $0xFFFFC000  }
0x2c: {  	_ =	swait.ge [sflag:s12], $0x5980  }
0x2d: {  	[sflag:s12] =	ssyncset.done $0x0  }
0x2e: {  	s31 =	simm.s32 $0x40;
	[sflag:s12] =	ssyncadd.s32 $0xFFFFA680  }
0x2f: {  	v0 =	vld [tilespmem:s31+$0x30]  }
0x30: {  	v1 =	vld [tilespmem:s31+$0xFFFFFFD0]  }
0x31: {  	v2 =	vld [tilespmem:s31+$0xFFFFFFE0]  }
0x32: {  	v3 =	vld [tilespmem:s31+$0xFFFFFFF0]  }
0x33: {  	v4 =	vld [tilespmem:s31+$0x0]  }
0x34: {  	v6 =	vld [tilespmem:s31+$0x10]  }
0x35: {  	v7 =	vld [tilespmem:s31+$0x20]  }
0x36: {  	v8 =	vld [tilespmem:s31+$0xFFFFFFC0]  }
0x37: {  	v9 =	vld.idx.msk [tilespmem:v0+s11+$0x0], $0xffff  }
0x38: {  	v10 =	vld.idx.msk [tilespmem:v1+s11+$0x0], $0xffff  }
0x39: {  	v5 =	vld.idx.msk [tilespmem:v2+s11+$0x0], $0xffff  }
0x3a: {  	v3 =	vld.idx.msk [tilespmem:v3+s11+$0x0], $0xffff  }
0x3b: {  	v0 =	vld.idx.msk [tilespmem:v4+s11+$0x0], $0xffff  }
0x3c: {  	s18 =	simm.s32 $0xF340;
	v1 =	vld.idx.msk [tilespmem:v6+s11+$0x0], $0xffff  }
0x3d: {  	v2 =	vld.idx.msk [tilespmem:v7+s11+$0x0], $0xffff;
	[tilespmem:s18+$0x30] =	vst v9  }
0x3e: {  	s19 =	simm.s32 $0x0;
	s20 =	simm.s32 $0xC0;
	v4 =	vld.idx.msk [tilespmem:v8+s11+$0x0], $0xffff;
	[tilespmem:s18+$0xFFFFFFD0] =	vst v10  }
.LBB2_2:
0x3f: {  	v6 =	vld [tilespmem:s20+$0x30];
	s19 =	sadd.s32 $0x80, s19;
	[tilespmem:s18+$0xFFFFFFE0] =	vst v5  }
0x40: {  	v5 =	vld [tilespmem:s20+$0xFFFFFFD0];
	p1 =	slt.u32 s19, $0xF80;
	[tilespmem:s18+$0xFFFFFFF0] =	vst v3  }
0x41: {  	v3 =	vld [tilespmem:s20+$0xFFFFFFE0];
	[tilespmem:s18+$0x0] =	vst v0  }
0x42: {  	v0 =	vld [tilespmem:s20+$0xFFFFFFF0];
	[tilespmem:s18+$0x10] =	vst v1  }
0x43: {  	v1 =	vld [tilespmem:s20+$0x0];
	[tilespmem:s18+$0x20] =	vst v2  }
0x44: {  	v2 =	vld [tilespmem:s20+$0x10];
	[tilespmem:s18+$0xFFFFFFC0] =	vst v4  }
0x45: {  	v4 =	vld [tilespmem:s20+$0x20]  }
0x46: {  	v7 =	vld [tilespmem:s20+$0xFFFFFFC0]  }
0x47: {  	v6 =	vld.idx.msk [tilespmem:v6+s11+$0x0], $0xffff  }
0x48: {  	v8 =	vld.idx.msk [tilespmem:v5+s11+$0x0], $0xffff  }
0x49: {  	v5 =	vld.idx.msk [tilespmem:v3+s11+$0x0], $0xffff  }
.Ltmp2:
0x4a: {  	v3 =	vld.idx.msk [tilespmem:v0+s11+$0x0], $0xffff;
	(pc) =	sbr.rel @p1 .LBB2_2-.Ltmp2, $4  }
0x4b: {  	v0 =	vld.idx.msk [tilespmem:v1+s11+$0x0], $0xffff  }
0x4c: {  	s18 =	sadd.s32 $0x80, s18;
	v1 =	vld.idx.msk [tilespmem:v2+s11+$0x0], $0xffff  }
0x4d: {  	v2 =	vld.idx.msk [tilespmem:v4+s11+$0x0], $0xffff;
	[tilespmem:s18+$0x30] =	vst v6  }
0x4e: {  	s20 =	sadd.s32 $0x80, s20;
	v4 =	vld.idx.msk [tilespmem:v7+s11+$0x0], $0xffff;
	[tilespmem:s18+$0xFFFFFFD0] =	vst v8  }
0x4f: {  	[tilespmem:s18+$0xFFFFFFE0] =	vst v5  }
.Ltmp3:
0x50: {  	[tilespmem:s18+$0xFFFFFFF0] =	vst v3;
	(pc) =	sbr.rel @p0 .LBB2_4-.Ltmp3, $4  }
0x51: {  	[tilespmem:s18+$0x0] =	vst v0  }
0x52: {  	[tilespmem:s18+$0x10] =	vst v1  }
0x53: {  	[tilespmem:s18+$0x20] =	vst v2  }
0x54: {  	[tilespmem:s18+$0xFFFFFFC0] =	vst v4  }
0x55: {  	_ =	swait.ge [sflag:s13], $0x5980  }
0x56: {  	[sflag:s13] =	ssyncset.done $0x0  }
0x57: {  	s18 =	simm.s32 $0x1070;
	[sflag:s13] =	ssyncadd.s32 $0xFFFFA680  }
0x58: {  	v0 =	vld [tilespmem:s18+$0x0]  }
0x59: {  	v1 =	vld [tilespmem:s18+$0xFFFFFFA0]  }
0x5a: {  	v2 =	vld [tilespmem:s18+$0xFFFFFFB0]  }
0x5b: {  	v3 =	vld [tilespmem:s18+$0xFFFFFFC0]  }
0x5c: {  	v4 =	vld [tilespmem:s18+$0xFFFFFFD0]  }
0x5d: {  	v5 =	vld [tilespmem:s18+$0xFFFFFFE0]  }
0x5e: {  	v6 =	vld [tilespmem:s18+$0xFFFFFFF0]  }
0x5f: {  	v7 =	vld [tilespmem:s18+$0xFFFFFF90]  }
0x60: {  	v8 =	vld.idx.msk [tilespmem:v0+s11+$0x0], $0xffff  }
0x61: {  	v9 =	vld.idx.msk [tilespmem:v1+s11+$0x0], $0xffff  }
0x62: {  	v10 =	vld.idx.msk [tilespmem:v2+s11+$0x0], $0xffff  }
0x63: {  	v11 =	vld.idx.msk [tilespmem:v3+s11+$0x0], $0xffff  }
0x64: {  	v12 =	vld.idx.msk [tilespmem:v4+s11+$0x0], $0xffff  }
0x65: {  	s19 =	simm.s32 $0x10370;
	v13 =	vld.idx.msk [tilespmem:v5+s11+$0x0], $0xffff  }
0x66: {  	v14 =	vld.idx.msk [tilespmem:v6+s11+$0x0], $0xffff;
	[tilespmem:s19+$0x0] =	vst v8  }
0x67: {  	v62 =	vld.idx.msk [tilespmem:v7+s11+$0x0], $0xffff;
	[tilespmem:s19+$0xFFFFFFA0] =	vst v9  }
0x68: {  	[tilespmem:s19+$0xFFFFFFB0] =	vst v10;
	v8 =	vld.idx.msk [tilespmem:v0+s14+$0x0], $0xffff  }
0x69: {  	[tilespmem:s19+$0xFFFFFFC0] =	vst v11;
	v63 =	vld.idx.msk [tilespmem:v1+s14+$0x0], $0xffff  }
0x6a: {  	[tilespmem:s19+$0xFFFFFFD0] =	vst v12;
	v0 =	vld.idx.msk [tilespmem:v2+s14+$0x0], $0xffff  }
0x6b: {  	[tilespmem:s19+$0xFFFFFFE0] =	vst v13;
	v1 =	vld.idx.msk [tilespmem:v3+s14+$0x0], $0xffff  }
0x6c: {  	[tilespmem:s19+$0xFFFFFFF0] =	vst v14;
	v2 =	vld.idx.msk [tilespmem:v4+s14+$0x0], $0xffff  }
0x6d: {  	s20 =	simm.s32 $0x14370;
	[tilespmem:s19+$0xFFFFFF90] =	vst v62;
	v3 =	vld.idx.msk [tilespmem:v5+s14+$0x0], $0xffff  }
0x6e: {  	v4 =	vld.idx.msk [tilespmem:v6+s14+$0x0], $0xffff;
	[tilespmem:s20+$0x0] =	vst v8  }
0x6f: {  	s21 =	simm.s32 $0x1000;
	s22 =	simm.s32 $0x10F0;
	s18 =	simm.s32 $0x13340;
	v5 =	vld.idx.msk [tilespmem:v7+s14+$0x0], $0xffff;
	[tilespmem:s20+$0xFFFFFFA0] =	vst v63  }
.LBB2_8:
0x70: {  	v6 =	vld [tilespmem:s22+$0x0];
	s21 =	sadd.s32 $0x80, s21;
	[tilespmem:s20+$0xFFFFFFB0] =	vst v0  }
0x71: {  	v0 =	vld [tilespmem:s22+$0xFFFFFFA0];
	p1 =	slt.u32 s21, $0x3F80;
	[tilespmem:s20+$0xFFFFFFC0] =	vst v1  }
0x72: {  	v1 =	vld [tilespmem:s22+$0xFFFFFFB0];
	[tilespmem:s20+$0xFFFFFFD0] =	vst v2  }
0x73: {  	v2 =	vld [tilespmem:s22+$0xFFFFFFC0];
	[tilespmem:s20+$0xFFFFFFE0] =	vst v3  }
0x74: {  	v3 =	vld [tilespmem:s22+$0xFFFFFFD0];
	[tilespmem:s20+$0xFFFFFFF0] =	vst v4  }
0x75: {  	v4 =	vld [tilespmem:s22+$0xFFFFFFE0];
	[tilespmem:s20+$0xFFFFFF90] =	vst v5  }
0x76: {  	v5 =	vld [tilespmem:s22+$0xFFFFFFF0]  }
0x77: {  	v7 =	vld [tilespmem:s22+$0xFFFFFF90]  }
0x78: {  	v8 =	vld.idx.msk [tilespmem:v6+s11+$0x0], $0xffff  }
0x79: {  	v9 =	vld.idx.msk [tilespmem:v0+s11+$0x0], $0xffff  }
0x7a: {  	v10 =	vld.idx.msk [tilespmem:v1+s11+$0x0], $0xffff  }
0x7b: {  	v11 =	vld.idx.msk [tilespmem:v2+s11+$0x0], $0xffff  }
0x7c: {  	v12 =	vld.idx.msk [tilespmem:v3+s11+$0x0], $0xffff  }
0x7d: {  	s19 =	sadd.s32 $0x80, s19;
	v13 =	vld.idx.msk [tilespmem:v4+s11+$0x0], $0xffff  }
0x7e: {  	v14 =	vld.idx.msk [tilespmem:v5+s11+$0x0], $0xffff;
	[tilespmem:s19+$0x0] =	vst v8  }
0x7f: {  	[tilespmem:s19+$0xFFFFFFA0] =	vst v9;
	v6 =	vld.idx.msk [tilespmem:v6+s14+$0x0], $0xffff  }
0x80: {  	v8 =	vld.idx.msk [tilespmem:v7+s11+$0x0], $0xffff;
	[tilespmem:s19+$0xFFFFFFB0] =	vst v10  }
0x81: {  	v9 =	vld.idx.msk [tilespmem:v0+s14+$0x0], $0xffff;
	[tilespmem:s19+$0xFFFFFFC0] =	vst v11  }
0x82: {  	v0 =	vld.idx.msk [tilespmem:v1+s14+$0x0], $0xffff;
	[tilespmem:s19+$0xFFFFFFD0] =	vst v12  }
.Ltmp4:
0x83: {  	v1 =	vld.idx.msk [tilespmem:v2+s14+$0x0], $0xffff;
	[tilespmem:s19+$0xFFFFFFE0] =	vst v13;
	(pc) =	sbr.rel @p1 .LBB2_8-.Ltmp4, $4  }
0x84: {  	s20 =	sadd.s32 $0x80, s20;
	v2 =	vld.idx.msk [tilespmem:v3+s14+$0x0], $0xffff;
	[tilespmem:s19+$0xFFFFFFF0] =	vst v14  }
0x85: {  	v3 =	vld.idx.msk [tilespmem:v4+s14+$0x0], $0xffff;
	[tilespmem:s20+$0x0] =	vst v6  }
0x86: {  	[tilespmem:s19+$0xFFFFFF90] =	vst v8;
	v4 =	vld.idx.msk [tilespmem:v5+s14+$0x0], $0xffff  }
0x87: {  	s22 =	sadd.s32 $0x80, s22;
	v5 =	vld.idx.msk [tilespmem:v7+s14+$0x0], $0xffff;
	[tilespmem:s20+$0xFFFFFFA0] =	vst v9  }
0x88: {  	[tilespmem:s20+$0xFFFFFFB0] =	vst v0  }
0x89: {  	[tilespmem:s20+$0xFFFFFFC0] =	vst v1  }
0x8a: {  	[tilespmem:s20+$0xFFFFFFD0] =	vst v2  }
0x8b: {  	[tilespmem:s20+$0xFFFFFFE0] =	vst v3  }
0x8c: {  	[tilespmem:s20+$0xFFFFFFF0] =	vst v4  }
0x8d: {  	[tilespmem:s20+$0xFFFFFF90] =	vst v5  }
0x8e: {  	v0 =	vld [tilespmem:s23+$0x30]  }
0x8f: {  	v1 =	vld [tilespmem:s23+$0xFFFFFFD0]  }
0x90: {  	v2 =	vld [tilespmem:s23+$0xFFFFFFE0]  }
0x91: {  	v3 =	vld [tilespmem:s23+$0xFFFFFFF0]  }
0x92: {  	v4 =	vld [tilespmem:s23+$0x0]  }
0x93: {  	v6 =	vld [tilespmem:s23+$0x10]  }
0x94: {  	v7 =	vld [tilespmem:s23+$0x20]  }
0x95: {  	v8 =	vld [tilespmem:s23+$0xFFFFFFC0]  }
0x96: {  	v9 =	vld.idx.msk [tilespmem:v0+s14+$0x0], $0xffff  }
0x97: {  	v10 =	vld.idx.msk [tilespmem:v1+s14+$0x0], $0xffff  }
0x98: {  	v5 =	vld.idx.msk [tilespmem:v2+s14+$0x0], $0xffff  }
0x99: {  	v3 =	vld.idx.msk [tilespmem:v3+s14+$0x0], $0xffff  }
0x9a: {  	v2 =	vld.idx.msk [tilespmem:v4+s14+$0x0], $0xffff  }
0x9b: {  	v0 =	vld.idx.msk [tilespmem:v6+s14+$0x0], $0xffff  }
0x9c: {  	v1 =	vld.idx.msk [tilespmem:v7+s14+$0x0], $0xffff;
	[tilespmem:s18+$0x30] =	vst v9  }
0x9d: {  	s19 =	simm.s32 $0x0;
	s20 =	simm.s32 $0xC0;
	v4 =	vld.idx.msk [tilespmem:v8+s14+$0x0], $0xffff;
	[tilespmem:s18+$0xFFFFFFD0] =	vst v10  }
.LBB2_10:
0x9e: {  	v6 =	vld [tilespmem:s20+$0x30];
	s19 =	sadd.s32 $0x80, s19;
	[tilespmem:s18+$0xFFFFFFE0] =	vst v5  }
0x9f: {  	v5 =	vld [tilespmem:s20+$0xFFFFFFD0];
	p1 =	slt.u32 s19, $0xF80;
	[tilespmem:s18+$0xFFFFFFF0] =	vst v3  }
0xa0: {  	v3 =	vld [tilespmem:s20+$0xFFFFFFE0];
	[tilespmem:s18+$0x0] =	vst v2  }
0xa1: {  	v2 =	vld [tilespmem:s20+$0xFFFFFFF0];
	[tilespmem:s18+$0x10] =	vst v0  }
0xa2: {  	v0 =	vld [tilespmem:s20+$0x0];
	[tilespmem:s18+$0x20] =	vst v1  }
0xa3: {  	v1 =	vld [tilespmem:s20+$0x10];
	[tilespmem:s18+$0xFFFFFFC0] =	vst v4  }
0xa4: {  	v4 =	vld [tilespmem:s20+$0x20]  }
0xa5: {  	v7 =	vld [tilespmem:s20+$0xFFFFFFC0]  }
0xa6: {  	v6 =	vld.idx.msk [tilespmem:v6+s14+$0x0], $0xffff  }
0xa7: {  	v8 =	vld.idx.msk [tilespmem:v5+s14+$0x0], $0xffff  }
0xa8: {  	v5 =	vld.idx.msk [tilespmem:v3+s14+$0x0], $0xffff  }
.Ltmp5:
0xa9: {  	v3 =	vld.idx.msk [tilespmem:v2+s14+$0x0], $0xffff;
	(pc) =	sbr.rel @p1 .LBB2_10-.Ltmp5, $4  }
0xaa: {  	v2 =	vld.idx.msk [tilespmem:v0+s14+$0x0], $0xffff  }
0xab: {  	s18 =	sadd.s32 $0x80, s18;
	v0 =	vld.idx.msk [tilespmem:v1+s14+$0x0], $0xffff  }
0xac: {  	v1 =	vld.idx.msk [tilespmem:v4+s14+$0x0], $0xffff;
	[tilespmem:s18+$0x30] =	vst v6  }
0xad: {  	s20 =	sadd.s32 $0x80, s20;
	v4 =	vld.idx.msk [tilespmem:v7+s14+$0x0], $0xffff;
	[tilespmem:s18+$0xFFFFFFD0] =	vst v8  }
0xae: {  	[tilespmem:s18+$0xFFFFFFE0] =	vst v5  }
.Ltmp6:
0xaf: {  	[tilespmem:s18+$0xFFFFFFF0] =	vst v3;
	(pc) =	sbr.rel .LBB2_12-.Ltmp6, $4  }
0xb0: {  	[tilespmem:s18+$0x0] =	vst v2  }
0xb1: {  	[tilespmem:s18+$0x10] =	vst v0  }
0xb2: {  	[tilespmem:s18+$0x20] =	vst v1  }
0xb3: {  	[tilespmem:s18+$0xFFFFFFC0] =	vst v4  }
.LBB2_4:
0xb4: {  	s19 =	simm.s32 $0x1070  }
0xb5: {  	v0 =	vld [tilespmem:s19+$0x0]  }
0xb6: {  	v1 =	vld [tilespmem:s19+$0xFFFFFFA0]  }
0xb7: {  	v2 =	vld [tilespmem:s19+$0xFFFFFFB0]  }
0xb8: {  	v3 =	vld [tilespmem:s19+$0xFFFFFFC0]  }
0xb9: {  	v4 =	vld [tilespmem:s19+$0xFFFFFFD0]  }
0xba: {  	v6 =	vld [tilespmem:s19+$0xFFFFFFE0]  }
0xbb: {  	v7 =	vld [tilespmem:s19+$0xFFFFFFF0]  }
0xbc: {  	v8 =	vld [tilespmem:s19+$0xFFFFFF90]  }
0xbd: {  	v9 =	vld.idx.msk [tilespmem:v0+s11+$0x0], $0xffff  }
0xbe: {  	v10 =	vld.idx.msk [tilespmem:v1+s11+$0x0], $0xffff  }
0xbf: {  	v5 =	vld.idx.msk [tilespmem:v2+s11+$0x0], $0xffff  }
0xc0: {  	v3 =	vld.idx.msk [tilespmem:v3+s11+$0x0], $0xffff  }
0xc1: {  	v2 =	vld.idx.msk [tilespmem:v4+s11+$0x0], $0xffff  }
0xc2: {  	s18 =	simm.s32 $0x10370;
	v0 =	vld.idx.msk [tilespmem:v6+s11+$0x0], $0xffff  }
0xc3: {  	v1 =	vld.idx.msk [tilespmem:v7+s11+$0x0], $0xffff;
	[tilespmem:s18+$0x0] =	vst v9  }
0xc4: {  	s20 =	simm.s32 $0x10F0;
	s19 =	simm.s32 $0x1000;
	v4 =	vld.idx.msk [tilespmem:v8+s11+$0x0], $0xffff;
	[tilespmem:s18+$0xFFFFFFA0] =	vst v10  }
.LBB2_5:
0xc5: {  	v6 =	vld [tilespmem:s20+$0x0];
	s19 =	sadd.s32 $0x80, s19;
	[tilespmem:s18+$0xFFFFFFB0] =	vst v5  }
0xc6: {  	v5 =	vld [tilespmem:s20+$0xFFFFFFA0];
	p1 =	slt.u32 s19, $0x3F80;
	[tilespmem:s18+$0xFFFFFFC0] =	vst v3  }
0xc7: {  	v3 =	vld [tilespmem:s20+$0xFFFFFFB0];
	[tilespmem:s18+$0xFFFFFFD0] =	vst v2  }
0xc8: {  	v2 =	vld [tilespmem:s20+$0xFFFFFFC0];
	[tilespmem:s18+$0xFFFFFFE0] =	vst v0  }
0xc9: {  	v0 =	vld [tilespmem:s20+$0xFFFFFFD0];
	[tilespmem:s18+$0xFFFFFFF0] =	vst v1  }
0xca: {  	v1 =	vld [tilespmem:s20+$0xFFFFFFE0];
	[tilespmem:s18+$0xFFFFFF90] =	vst v4  }
0xcb: {  	v4 =	vld [tilespmem:s20+$0xFFFFFFF0]  }
0xcc: {  	v7 =	vld [tilespmem:s20+$0xFFFFFF90]  }
0xcd: {  	v6 =	vld.idx.msk [tilespmem:v6+s11+$0x0], $0xffff  }
0xce: {  	v8 =	vld.idx.msk [tilespmem:v5+s11+$0x0], $0xffff  }
0xcf: {  	v5 =	vld.idx.msk [tilespmem:v3+s11+$0x0], $0xffff  }
.Ltmp7:
0xd0: {  	v3 =	vld.idx.msk [tilespmem:v2+s11+$0x0], $0xffff;
	(pc) =	sbr.rel @p1 .LBB2_5-.Ltmp7, $4  }
0xd1: {  	v2 =	vld.idx.msk [tilespmem:v0+s11+$0x0], $0xffff  }
0xd2: {  	s18 =	sadd.s32 $0x80, s18;
	v0 =	vld.idx.msk [tilespmem:v1+s11+$0x0], $0xffff  }
0xd3: {  	v1 =	vld.idx.msk [tilespmem:v4+s11+$0x0], $0xffff;
	[tilespmem:s18+$0x0] =	vst v6  }
0xd4: {  	s20 =	sadd.s32 $0x80, s20;
	v4 =	vld.idx.msk [tilespmem:v7+s11+$0x0], $0xffff;
	[tilespmem:s18+$0xFFFFFFA0] =	vst v8  }
.Ltmp8:
0xd5: {  	_ = 	snop;
	(pc) =	sbr.rel .LBB2_6-.Ltmp8, $1  }
0xd6: {  	_ =	sdelay $0x3  }
.LBB2_13:
0xd7: {  	_ =	sfence.sel $0x180000  }
0xd8: {  	[bflag:$0x0] =	sbarrier.arrive $0xFFFF  }
0xd9: {  	p0 =	sne.s32 s1, $0x0;
	_ =	strace $0x90000047  }
0xda: {  	s0 =	sadd.s32 @!p0 $0x100000, s0;
	[bflag:$0x2] =	sbarrier.arrive $0xFFFF  }
0xdb: {  	[sflag:s0] =	ssyncadd.tile.s32 @!p0 $0x1;
	_ =	shalt  }
.Lfunc_end2:
_tile_overlayer_lowered:
.L_overlay_start_2:
0xdc: {  	(tag) =	ssettag $0x2  }
0xdd: {  	s0 =	rddreg [dreg:$0x0];
	s2 =	stileid.u32  }
0xde: {  	s1 =	rddreg [dreg:$0x1];
	p0 =	sne.s32 s2, $0x0  }
0xdf: {  	s3 =	rddreg [dreg:$0x2];
	[bflag:$0x3] =	sbarrier.arrive $0xFFFF;
	s2 =	simm.s32 @!p0 $0x1C04  }
0xe0: {  	[timem:s3], [sflag:s2] =	dma.local @!p0 [hbm:s0], s1  }
0xe1: {  	s0 =	simm.s32 @!p0 $0x4  }
0xe2: {  	_ =	swait.ge @!p0 [sflag:s0], s1  }
0xe3: {  	s1 =	ssub.s32 @!p0 $0x0, s1;
	[sflag:s0] =	ssyncset.done @!p0 $0x0  }
0xe4: {  	[sflag:s0] =	ssyncadd.s32 @!p0 s1  }
0xe5: {  	[bflag:$0x3] =	sbarrier.arrive $0xFFFF  }
0xe6: {  	_ =	shalt  }

</sc_bundles>
